<compile_context>
chip_gen: v7x
topology: tpu7x:2x2x1
jax: 0.10.2.dev20260603
libtpu: 0.0.44.dev20260713+nightly
codegen_flags: <defaults>
</compile_context>

<pallas_src>
import functools

import jax
import jax.numpy as jnp
from jax.experimental import pallas as pl
from jax.experimental.pallas import tpu as pltpu
from jax.experimental.pallas import tpu_sc as plsc

N_EMB = 8192
DIM = 32
N_TOK = 8192
TILE = 256
GRID = N_TOK // TILE

_NC = 2
_NS = 16
_NW = _NC * _NS
_BPW = N_TOK // _NW


_PAD = 128

_ES = 20.0 * 1.4426950408889634


def _prep_body(cb_ref, cbn_ref, cbnp_ref):
    cb = cb_ref[...]
    n = jnp.sqrt(jnp.sum(cb * cb, axis=1, keepdims=True))
    cbn = cb / jnp.maximum(n, 1e-12)
    cbn_ref[...] = cbn
    cbnp_ref[...] = jnp.concatenate(
        [cbn, jnp.zeros((N_EMB, _PAD - DIM), jnp.float32)], axis=1)


def _vq_body(x_ref, cb_ref, soft_ref, idx_ref, xn_ref):
    x = x_ref[...]
    xn = x / jnp.maximum(jnp.sqrt(jnp.sum(x * x, axis=1, keepdims=True)), 1e-12)
    xn_ref[...] = xn
    cbn = cb_ref[...]
    logits = jax.lax.dot_general(xn, cbn, (((1,), (1,)), ((), ())),
                                 preferred_element_type=jnp.float32)
    e = jnp.exp2(logits * _ES)
    r = 1.0 / jnp.sum(e, axis=1, keepdims=True)
    soft_ref[...] = e * r
    idx_ref[0, 0, :] = jnp.argmax(logits, axis=1).astype(jnp.int32)


def _sc_body(cbn_hbm, idx_hbm, quant_hbm, counts_hbm, idx_v, rows_v, table_v,
             sem):
    c = jax.lax.axis_index("c")
    s = jax.lax.axis_index("s")
    wid = s * _NC + c
    base = wid * _BPW
    pltpu.sync_copy(idx_hbm.at[pl.ds(base, _BPW)], idx_v)
    pltpu.async_copy(cbn_hbm.at[idx_v], rows_v, sem).wait()
    pltpu.sync_copy(rows_v, quant_hbm.at[pl.ds(base, _BPW)])

    def _zero(j, carry):
        table_v[pl.ds(j * 16, 16)] = jnp.zeros((16,), jnp.float32)
        return carry

    jax.lax.fori_loop(0, N_EMB // 16, _zero, 0)

    def _hist(j, carry):
        idx16 = idx_v[pl.ds(j * 16, 16)]
        plsc.addupdate_scatter(table_v, [idx16], jnp.ones((16,), jnp.float32))
        return carry

    jax.lax.fori_loop(0, _BPW // 16, _hist, 0)
    pltpu.sync_copy(table_v, counts_hbm.at[wid])


_sc_gather_hist = functools.partial(
    pl.kernel,
    mesh=plsc.VectorSubcoreMesh(core_axis_name="c", subcore_axis_name="s"),
    out_type=[
        jax.ShapeDtypeStruct((N_TOK, _PAD), jnp.float32),
        jax.ShapeDtypeStruct((_NW, N_EMB), jnp.float32),
    ],
    scratch_types=[
        pltpu.VMEM((_BPW,), jnp.int32),
        pltpu.VMEM((_BPW, _PAD), jnp.float32),
        pltpu.VMEM((N_EMB,), jnp.float32),
        pltpu.SemaphoreType.DMA,
    ],
    compiler_params=pltpu.CompilerParams(needs_layout_passes=False),
)(_sc_body)


def _fin_body(cnt_ref, quant_ref, xn_ref, perp_ref, loss_ref):
    counts = jnp.sum(cnt_ref[...], axis=0, keepdims=True)
    avg = counts / N_TOK
    perp_ref[...] = jnp.reshape(
        jnp.exp(-jnp.sum(avg * jnp.log(avg + 1e-10))), (1, 1))
    dq = quant_ref[...][:, :DIM] - xn_ref[...]
    loss_ref[...] = jnp.reshape(
        0.25 * jnp.sum(dq * dq) / (N_TOK * DIM), (1, 1))


def kernel(inputs, codebook):
    flat = inputs.reshape(-1, DIM)
    cbn, cbnp = pl.pallas_call(
        _prep_body,
        out_shape=[
            jax.ShapeDtypeStruct((N_EMB, DIM), jnp.float32),
            jax.ShapeDtypeStruct((N_EMB, _PAD), jnp.float32),
        ],
    )(codebook)
    soft, idx, xn = pl.pallas_call(
        _vq_body,
        grid=(GRID,),
        in_specs=[
            pl.BlockSpec((TILE, DIM), lambda i: (i, 0)),
            pl.BlockSpec((N_EMB, DIM), lambda i: (0, 0)),
        ],
        out_specs=[
            pl.BlockSpec((TILE, N_EMB), lambda i: (i, 0)),
            pl.BlockSpec((1, 1, TILE), lambda i: (i, 0, 0)),
            pl.BlockSpec((TILE, DIM), lambda i: (i, 0)),
        ],
        out_shape=[
            jax.ShapeDtypeStruct((N_TOK, N_EMB), jnp.float32),
            jax.ShapeDtypeStruct((GRID, 1, TILE), jnp.int32),
            jax.ShapeDtypeStruct((N_TOK, DIM), jnp.float32),
        ],
    )(flat, cbn)
    idx_flat = idx.reshape(-1)
    quant_pad, counts = _sc_gather_hist(cbnp, idx_flat)
    quant = quant_pad[:, :DIM]
    perp, loss = pl.pallas_call(
        _fin_body,
        out_shape=[
            jax.ShapeDtypeStruct((1, 1), jnp.float32),
            jax.ShapeDtypeStruct((1, 1), jnp.float32),
        ],
    )(counts, quant_pad, xn)
    return (loss[0, 0], quant.reshape(inputs.shape), soft, perp[0, 0],
            idx_flat[:, None])

# --- scband reference (transcript-rebuilt; emitter-appended) ---
"""Pipeline reference for scband-vector-quantizer-85023172591763 (READ-ONLY COPY).

The authoritative reference and input builder live on the scoring server;
editing this copy changes nothing except your own understanding.
"""

import jax, jax.numpy as jnp
import numpy as np

NUM_EMBEDDINGS = 8192
EMBEDDING_DIM = 32
COMMITMENT_COST = 0.25


def _normalize(x, axis=-1, eps=1e-12):
    n = jnp.linalg.norm(x, axis=axis, keepdims=True)
    return x / jnp.maximum(n, eps)


def setup_inputs(seed: int = 0) -> dict:
    key = jax.random.key(seed)
    k1, k2 = jax.random.split(key)
    inputs = jax.random.normal(k1, (8, 1024, 32), dtype=jnp.float32)
    codebook = jax.random.normal(k2, (NUM_EMBEDDINGS, EMBEDDING_DIM), dtype=jnp.float32)
    codebook = _normalize(codebook, axis=-1)
    return {"inputs": inputs, "codebook": codebook}


def reference(inputs, codebook):
    flat_input = inputs.reshape(-1, EMBEDDING_DIM)
    flat_input_norm = _normalize(flat_input, axis=-1)
    codebook_norm = _normalize(jax.lax.stop_gradient(codebook), axis=-1)
    distances = 2.0 - 2.0 * jnp.matmul(flat_input_norm, codebook_norm.T)
    soft_probs = jax.nn.softmax(-distances / 0.1, axis=1)
    encoding_indices = jnp.argmin(distances, axis=1)[:, None]
    encodings_hard = jax.nn.one_hot(encoding_indices[:, 0], NUM_EMBEDDINGS, dtype=inputs.dtype)
    quantized = jnp.matmul(encodings_hard, codebook_norm).reshape(inputs.shape)
    x_norm_r = flat_input_norm.reshape(inputs.shape)
    e_latent_loss = jnp.mean((jax.lax.stop_gradient(quantized) - x_norm_r) ** 2)
    vq_loss = COMMITMENT_COST * e_latent_loss
    quantized_st = x_norm_r + jax.lax.stop_gradient(quantized - x_norm_r)
    avg_probs = jnp.mean(encodings_hard, axis=0)
    perplexity = jnp.exp(-jnp.sum(avg_probs * jnp.log(avg_probs + 1e-10)))
    return (vq_loss, quantized_st, soft_probs, perplexity, encoding_indices)

if __name__ == "__main__":
    import jax
    _d = setup_inputs()
    print(jax.jit(kernel)(*tuple(_d.values())))

</pallas_src>

<mosaic_0001>
#map = affine_map<(d0, d1) -> (0, 0)>
#map1 = affine_map<(d0, d1) -> (0)>
module attributes {stable_mosaic.version = 14 : i64} {
  func.func @_sc_body(%arg0: i32, %arg1: i32, %arg2: memref<8192x128xf32, #tpu.memory_space<hbm>>, %arg3: memref<8192xi32, #tpu.memory_space<hbm>>, %arg4: memref<8192x128xf32, #tpu.memory_space<hbm>>, %arg5: memref<32x8192xf32, #tpu.memory_space<hbm>>, %arg6: memref<256xi32, #tpu.memory_space<vmem>>, %arg7: memref<256x128xf32, #tpu.memory_space<vmem>>, %arg8: memref<8192xf32, #tpu.memory_space<vmem>>, %arg9: memref<!tpu.dma_semaphore, #tpu.memory_space<semaphore_mem>>) attributes {dimension_semantics = [#tpu.dimension_semantics<core_parallel>, #tpu.dimension_semantics<subcore_parallel>], iteration_bounds = array<i64: 2, 16>, scalar_prefetch = 0 : i64, scratch_operands = 4 : i64, tpu.core_type = #tpu.core_type<sc_vector_subcore>, window_params = [{transform_indices = #map}, {transform_indices = #map1}, {transform_indices = #map}, {transform_indices = #map}]} {
    %mul3A = arith.constant 2 : i32
    %mul3A_0 = arith.muli %arg1, %mul3A : i32
    %add3A = arith.addi %mul3A_0, %arg0 : i32
    %mul3A_1 = arith.constant 256 : i32
    %mul3A_2 = arith.muli %add3A, %mul3A_1 : i32
    "tpu.region"() ({
      %run_scoped3A = tpu.sem_alloc : memref<!tpu.dma_semaphore, #tpu.memory_space<semaphore_mem>>
      %dma_start3A_18 = tpu.memref_slice %arg3[%mul3A_2] : memref<8192xi32, #tpu.memory_space<hbm>> -> memref<256xi32, #tpu.memory_space<hbm>>
      %dma_start3A_19 = tpu.memref_slice %arg3[%mul3A_2] : memref<8192xi32, #tpu.memory_space<hbm>> -> memref<256xi32, #tpu.memory_space<hbm>>
      tpu.enqueue_dma source(%dma_start3A_19 : memref<256xi32, #tpu.memory_space<hbm>>) target(%arg6 : memref<256xi32, #tpu.memory_space<vmem>>) target_semaphore(%run_scoped3A : memref<!tpu.dma_semaphore, #tpu.memory_space<semaphore_mem>>)
      %dma_wait3A_20 = tpu.memref_slice %arg3[%mul3A_2] : memref<8192xi32, #tpu.memory_space<hbm>> -> memref<256xi32, #tpu.memory_space<hbm>>
      %dma_wait3A_21 = tpu.memref_slice %arg3[%mul3A_2] : memref<8192xi32, #tpu.memory_space<hbm>> -> memref<256xi32, #tpu.memory_space<hbm>>
      tpu.wait_dma2 semaphore(%run_scoped3A : memref<!tpu.dma_semaphore, #tpu.memory_space<semaphore_mem>>) src(%dma_wait3A_21 : memref<256xi32, #tpu.memory_space<hbm>>) dst(%arg6 : memref<256xi32, #tpu.memory_space<vmem>>)
      tpu.yield
    }) : () -> ()
    %dma_start3A = arith.constant 0 : i32
    %dma_start3A_3 = arith.constant 0 : i32
    %dma_start3A_4 = tpu.memref_slice %arg2[%dma_start3A, %dma_start3A_3] : memref<8192x128xf32, #tpu.memory_space<hbm>> -> memref<8192x128xf32, #tpu.memory_space<hbm>>
    tpu.enqueue_indirect_dma source(%dma_start3A_4 : memref<8192x128xf32, #tpu.memory_space<hbm>>) target(%arg7 : memref<256x128xf32, #tpu.memory_space<vmem>>) offsets(%arg6 : memref<256xi32, #tpu.memory_space<vmem>>) semaphore(%arg9 : memref<!tpu.dma_semaphore, #tpu.memory_space<semaphore_mem>>)
    %dma_wait3A = arith.constant 0 : i32
    %dma_wait3A_5 = arith.constant 0 : i32
    %dma_wait3A_6 = tpu.memref_slice %arg2[%dma_wait3A, %dma_wait3A_5] : memref<8192x128xf32, #tpu.memory_space<hbm>> -> memref<8192x128xf32, #tpu.memory_space<hbm>>
    tpu.wait_indirect_dma semaphore(%arg9 : memref<!tpu.dma_semaphore, #tpu.memory_space<semaphore_mem>>) src(%dma_wait3A_6 : memref<8192x128xf32, #tpu.memory_space<hbm>>) dst(%arg7 : memref<256x128xf32, #tpu.memory_space<vmem>>)
    "tpu.region"() ({
      %run_scoped3A = tpu.sem_alloc : memref<!tpu.dma_semaphore, #tpu.memory_space<semaphore_mem>>
      %dma_start3A_18 = arith.constant 0 : i32
      %dma_start3A_19 = tpu.memref_slice %arg4[%mul3A_2, %dma_start3A_18] : memref<8192x128xf32, #tpu.memory_space<hbm>> -> memref<256x128xf32, #tpu.memory_space<hbm>>
      %dma_start3A_20 = arith.constant 0 : i32
      %dma_start3A_21 = tpu.memref_slice %arg4[%mul3A_2, %dma_start3A_20] : memref<8192x128xf32, #tpu.memory_space<hbm>> -> memref<256x128xf32, #tpu.memory_space<hbm>>
      tpu.enqueue_dma source(%arg7 : memref<256x128xf32, #tpu.memory_space<vmem>>) target(%dma_start3A_21 : memref<256x128xf32, #tpu.memory_space<hbm>>) target_semaphore(%run_scoped3A : memref<!tpu.dma_semaphore, #tpu.memory_space<semaphore_mem>>)
      %dma_wait3A_22 = arith.constant 0 : i32
      %dma_wait3A_23 = tpu.memref_slice %arg4[%mul3A_2, %dma_wait3A_22] : memref<8192x128xf32, #tpu.memory_space<hbm>> -> memref<256x128xf32, #tpu.memory_space<hbm>>
      %dma_wait3A_24 = arith.constant 0 : i32
      %dma_wait3A_25 = tpu.memref_slice %arg4[%mul3A_2, %dma_wait3A_24] : memref<8192x128xf32, #tpu.memory_space<hbm>> -> memref<256x128xf32, #tpu.memory_space<hbm>>
      tpu.wait_dma2 semaphore(%run_scoped3A : memref<!tpu.dma_semaphore, #tpu.memory_space<semaphore_mem>>) src(%arg7 : memref<256x128xf32, #tpu.memory_space<vmem>>) dst(%dma_wait3A_25 : memref<256x128xf32, #tpu.memory_space<hbm>>)
      tpu.yield
    }) : () -> ()
    %scan3A = arith.constant 0 : i32
    %scan3A_7 = arith.constant 0 : i32
    %scan3A_8 = arith.constant 512 : i32
    %scan3A_9 = arith.addi %scan3A_7, %scan3A_8 : i32
    %scan3A_10 = arith.constant 1 : i32
    scf.for %scan3A_18 = %scan3A_7 to %scan3A_9 step %scan3A_10  : i32 {
      %broadcast_in_dim3A = arith.constant 0.000000e+00 : f32
      %broadcast_in_dim3A_19 = vector.broadcast %broadcast_in_dim3A : f32 to vector<16xf32>
      %mul3A_20 = arith.constant 16 : i32
      %mul3A_21 = arith.muli %scan3A_18, %mul3A_20 : i32
      %swap3A = arith.index_cast %mul3A_21 : i32 to index
      %swap3A_22 = tpu.vector_load %arg8[%swap3A] {strides = array<i32>} : memref<8192xf32, #tpu.memory_space<vmem>>, vector<16xf32>,
      tpu.vector_store %arg8[%swap3A], %broadcast_in_dim3A_19 {strides = array<i32>} : memref<8192xf32, #tpu.memory_space<vmem>>, vector<16xf32>,
    }
    %scan3A_11 = arith.constant 512 : i32
    %scan3A_12 = arith.constant 0 : i32
    %scan3A_13 = arith.constant 0 : i32
    %scan3A_14 = arith.constant 16 : i32
    %scan3A_15 = arith.addi %scan3A_13, %scan3A_14 : i32
    %scan3A_16 = arith.constant 1 : i32
    scf.for %scan3A_18 = %scan3A_13 to %scan3A_15 step %scan3A_16  : i32 {
      %mul3A_19 = arith.constant 16 : i32
      %mul3A_20 = arith.muli %scan3A_18, %mul3A_19 : i32
      %get3A = arith.index_cast %mul3A_20 : i32 to index
      %get3A_21 = tpu.vector_load %arg6[%get3A] {strides = array<i32>} : memref<256xi32, #tpu.memory_space<vmem>>, vector<16xi32>,
      %broadcast_in_dim3A = arith.constant 1.000000e+00 : f32
      %broadcast_in_dim3A_22 = vector.broadcast %broadcast_in_dim3A : f32 to vector<16xf32>
      tpu.vector_store_idx %arg8[%get3A_21], %broadcast_in_dim3A_22 {add = true} : memref<8192xf32, #tpu.memory_space<vmem>>[vector<16xi32>], vector<16xf32>,
    }
    %scan3A_17 = arith.constant 16 : i32
    "tpu.region"() ({
      %run_scoped3A = tpu.sem_alloc : memref<!tpu.dma_semaphore, #tpu.memory_space<semaphore_mem>>
      %dma_start3A_18 = arith.constant 0 : i32
      %dma_start3A_19 = tpu.memref_slice %arg5[%add3A, %dma_start3A_18] : memref<32x8192xf32, #tpu.memory_space<hbm>> -> memref<1x8192xf32, #tpu.memory_space<hbm>>
      %dma_start3A_20 = tpu.memref_squeeze %dma_start3A_19 : memref<1x8192xf32, #tpu.memory_space<hbm>> -> memref<8192xf32, #tpu.memory_space<hbm>>
      %dma_start3A_21 = arith.constant 0 : i32
      %dma_start3A_22 = tpu.memref_slice %arg5[%add3A, %dma_start3A_21] : memref<32x8192xf32, #tpu.memory_space<hbm>> -> memref<1x8192xf32, #tpu.memory_space<hbm>>
      %dma_start3A_23 = tpu.memref_squeeze %dma_start3A_22 : memref<1x8192xf32, #tpu.memory_space<hbm>> -> memref<8192xf32, #tpu.memory_space<hbm>>
      tpu.enqueue_dma source(%arg8 : memref<8192xf32, #tpu.memory_space<vmem>>) target(%dma_start3A_23 : memref<8192xf32, #tpu.memory_space<hbm>>) target_semaphore(%run_scoped3A : memref<!tpu.dma_semaphore, #tpu.memory_space<semaphore_mem>>)
      %dma_wait3A_24 = arith.constant 0 : i32
      %dma_wait3A_25 = tpu.memref_slice %arg5[%add3A, %dma_wait3A_24] : memref<32x8192xf32, #tpu.memory_space<hbm>> -> memref<1x8192xf32, #tpu.memory_space<hbm>>
      %dma_wait3A_26 = tpu.memref_squeeze %dma_wait3A_25 : memref<1x8192xf32, #tpu.memory_space<hbm>> -> memref<8192xf32, #tpu.memory_space<hbm>>
      %dma_wait3A_27 = arith.constant 0 : i32
      %dma_wait3A_28 = tpu.memref_slice %arg5[%add3A, %dma_wait3A_27] : memref<32x8192xf32, #tpu.memory_space<hbm>> -> memref<1x8192xf32, #tpu.memory_space<hbm>>
      %dma_wait3A_29 = tpu.memref_squeeze %dma_wait3A_28 : memref<1x8192xf32, #tpu.memory_space<hbm>> -> memref<8192xf32, #tpu.memory_space<hbm>>
      tpu.wait_dma2 semaphore(%run_scoped3A : memref<!tpu.dma_semaphore, #tpu.memory_space<semaphore_mem>>) src(%arg8 : memref<8192xf32, #tpu.memory_space<vmem>>) dst(%dma_wait3A_29 : memref<8192xf32, #tpu.memory_space<hbm>>)
      tpu.yield
    }) : () -> ()
    return
  }
}

module attributes {stable_mosaic.version = 14 : i64} {
  func.func @_vq_body(%arg0: i32, %arg1: memref<256x32xf32, #tpu.memory_space<vmem>>, %arg2: memref<8192x32xf32, #tpu.memory_space<vmem>>, %arg3: memref<256x8192xf32, #tpu.memory_space<vmem>>, %arg4: memref<1x1x256xi32, #tpu.memory_space<vmem>>, %arg5: memref<256x32xf32, #tpu.memory_space<vmem>>) attributes {dimension_semantics = [#tpu.dimension_semantics<arbitrary>], iteration_bounds = array<i64: 32>, scalar_prefetch = 0 : i64, scratch_operands = 0 : i64, tpu.core_type = #tpu.core_type<tc>, window_params = [{transform_indices = @transform_0, window_bounds = array<i64: 256, 32>}, {pipeline_mode = #tpu.pipeline_mode<synchronous>, transform_indices = @transform_1, window_bounds = array<i64: 8192, 32>}, {transform_indices = @transform_2, window_bounds = array<i64: 256, 8192>}, {transform_indices = @transform_3, window_bounds = array<i64: 1, 1, 256>}, {transform_indices = @transform_4, window_bounds = array<i64: 256, 32>}]} {
    %get3A = arith.constant 0 : index
    %get3A_0 = arith.constant 0 : index
    %get3A_1 = vector.load %arg1[%get3A, %get3A_0] : memref<256x32xf32, #tpu.memory_space<vmem>>, vector<256x32xf32>
    %mul3A = arith.mulf %get3A_1, %get3A_1 : vector<256x32xf32>
    %reduce_sum3A = arith.constant dense<0.000000e+00> : vector<256xf32>
    %reduce_sum3A_2 = vector.multi_reduction <add>, %mul3A, %reduce_sum3A [1] : vector<256x32xf32> to vector<256xf32>
    %broadcast_in_dim3A = vector.shape_cast %reduce_sum3A_2 : vector<256xf32> to vector<256x1xf32>
    %sqrt3A = math.sqrt %broadcast_in_dim3A : vector<256x1xf32>
    %max3A = arith.constant 9.99999996E-13 : f32
    %max3A_3 = vector.broadcast %max3A : f32 to vector<256x1xf32>
    %max3A_4 = arith.maximumf %sqrt3A, %max3A_3 : vector<256x1xf32>
    %div3A = vector.broadcast %max3A_4 : vector<256x1xf32> to vector<256x32xf32>
    %div3A_5 = arith.divf %get3A_1, %div3A : vector<256x32xf32>
    %swap3A = arith.constant 0 : index
    %swap3A_6 = arith.constant 0 : index
    %swap3A_7 = vector.load %arg5[%swap3A, %swap3A_6] : memref<256x32xf32, #tpu.memory_space<vmem>>, vector<256x32xf32>
    tpu.vector_store %arg5[%swap3A, %swap3A_6], %div3A_5 {strides = array<i32>} : memref<256x32xf32, #tpu.memory_space<vmem>>, vector<256x32xf32>,
    %get3A_8 = arith.constant 0 : index
    %get3A_9 = arith.constant 0 : index
    %get3A_10 = vector.load %arg2[%get3A_8, %get3A_9] : memref<8192x32xf32, #tpu.memory_space<vmem>>, vector<8192x32xf32>
    %dot_general3A = arith.constant dense<0.000000e+00> : vector<256x8192xf32>
    %dot_general3A_11 = tpu.matmul %div3A_5, %get3A_10, %dot_general3A {dimension_numbers = #tpu.dot_dimension_numbers<[1], [1], [0], [0], [0, 0, 1, 0], [], []>, transpose_lhs_hint = false} : vector<256x32xf32>, vector<8192x32xf32>, vector<256x8192xf32> -> vector<256x8192xf32>
    %mul3A_12 = arith.constant 2.885390e+01 : f32
    %mul3A_13 = vector.broadcast %mul3A_12 : f32 to vector<256x8192xf32>
    %mul3A_14 = arith.mulf %dot_general3A_11, %mul3A_13 : vector<256x8192xf32>
    %exp23A = math.exp2 %mul3A_14 : vector<256x8192xf32>
    %reduce_sum3A_15 = arith.constant dense<0.000000e+00> : vector<256xf32>
    %reduce_sum3A_16 = vector.multi_reduction <add>, %exp23A, %reduce_sum3A_15 [1] : vector<256x8192xf32> to vector<256xf32>
    %broadcast_in_dim3A_17 = vector.shape_cast %reduce_sum3A_16 : vector<256xf32> to vector<256x1xf32>
    %div3A_18 = arith.constant 1.000000e+00 : f32
    %div3A_19 = vector.broadcast %div3A_18 : f32 to vector<256x1xf32>
    %div3A_20 = arith.divf %div3A_19, %broadcast_in_dim3A_17 : vector<256x1xf32>
    %mul3A_21 = vector.broadcast %div3A_20 : vector<256x1xf32> to vector<256x8192xf32>
    %mul3A_22 = arith.mulf %exp23A, %mul3A_21 : vector<256x8192xf32>
    %swap3A_23 = arith.constant 0 : index
    %swap3A_24 = arith.constant 0 : index
    %swap3A_25 = vector.load %arg3[%swap3A_23, %swap3A_24] : memref<256x8192xf32, #tpu.memory_space<vmem>>, vector<256x8192xf32>
    tpu.vector_store %arg3[%swap3A_23, %swap3A_24], %mul3A_22 {strides = array<i32>} : memref<256x8192xf32, #tpu.memory_space<vmem>>, vector<256x8192xf32>,
    %argmax3A = tpu.reduce_index %dot_general3A_11 {axis = 1 : i32, kind = #tpu.reduction_kind<arg_max>} : vector<256x8192xf32> -> vector<256xi32>
    %swap3A_26 = arith.constant 0 : index
    %swap3A_27 = arith.constant 0 : index
    %swap3A_28 = arith.constant 0 : index
    %swap3A_29 = vector.load %arg4[%swap3A_26, %swap3A_27, %swap3A_28] : memref<1x1x256xi32, #tpu.memory_space<vmem>>, vector<1x1x256xi32>
    %swap3A_30 = vector.shape_cast %swap3A_29 : vector<1x1x256xi32> to vector<256xi32>
    %swap3A_31 = vector.shape_cast %argmax3A : vector<256xi32> to vector<1x1x256xi32>
    tpu.vector_store %arg4[%swap3A_26, %swap3A_27, %swap3A_28], %swap3A_31 {strides = array<i32>} : memref<1x1x256xi32, #tpu.memory_space<vmem>>, vector<1x1x256xi32>,
    return
  }
  func.func @transform_0(%arg0: i32) -> (i32, i32) {
    %c0_i32 = arith.constant 0 : i32
    %c0_i32_0 = arith.constant 0 : i32
    return %arg0, %c0_i32 : i32, i32
  }
  func.func @transform_1(%arg0: i32) -> (i32, i32) {
    %c0_i32 = arith.constant 0 : i32
    %c0_i32_0 = arith.constant 0 : i32
    %c0_i32_1 = arith.constant 0 : i32
    return %c0_i32, %c0_i32_0 : i32, i32
  }
  func.func @transform_2(%arg0: i32) -> (i32, i32) {
    %c0_i32 = arith.constant 0 : i32
    %c0_i32_0 = arith.constant 0 : i32
    return %arg0, %c0_i32 : i32, i32
  }
  func.func @transform_3(%arg0: i32) -> (i32, i32, i32) {
    %c0_i32 = arith.constant 0 : i32
    %c0_i32_0 = arith.constant 0 : i32
    %c0_i32_1 = arith.constant 0 : i32
    return %arg0, %c0_i32, %c0_i32_0 : i32, i32, i32
  }
  func.func @transform_4(%arg0: i32) -> (i32, i32) {
    %c0_i32 = arith.constant 0 : i32
    %c0_i32_0 = arith.constant 0 : i32
    return %arg0, %c0_i32 : i32, i32
  }
}

module attributes {stable_mosaic.version = 14 : i64} {
  func.func @_prep_body(%arg0: memref<8192x32xf32, #tpu.memory_space<vmem>>, %arg1: memref<8192x32xf32, #tpu.memory_space<vmem>>, %arg2: memref<8192x128xf32, #tpu.memory_space<vmem>>) attributes {dimension_semantics = [], scalar_prefetch = 0 : i64, scratch_operands = 0 : i64, tpu.core_type = #tpu.core_type<tc>} {
    %get3A = arith.constant 0 : index
    %get3A_0 = arith.constant 0 : index
    %get3A_1 = vector.load %arg0[%get3A, %get3A_0] : memref<8192x32xf32, #tpu.memory_space<vmem>>, vector<8192x32xf32>
    %mul3A = arith.mulf %get3A_1, %get3A_1 : vector<8192x32xf32>
    %reduce_sum3A = arith.constant dense<0.000000e+00> : vector<8192xf32>
    %reduce_sum3A_2 = vector.multi_reduction <add>, %mul3A, %reduce_sum3A [1] : vector<8192x32xf32> to vector<8192xf32>
    %broadcast_in_dim3A = vector.shape_cast %reduce_sum3A_2 : vector<8192xf32> to vector<8192x1xf32>
    %sqrt3A = math.sqrt %broadcast_in_dim3A : vector<8192x1xf32>
    %max3A = arith.constant 9.99999996E-13 : f32
    %max3A_3 = vector.broadcast %max3A : f32 to vector<8192x1xf32>
    %max3A_4 = arith.maximumf %sqrt3A, %max3A_3 : vector<8192x1xf32>
    %div3A = vector.broadcast %max3A_4 : vector<8192x1xf32> to vector<8192x32xf32>
    %div3A_5 = arith.divf %get3A_1, %div3A : vector<8192x32xf32>
    %swap3A = arith.constant 0 : index
    %swap3A_6 = arith.constant 0 : index
    %swap3A_7 = vector.load %arg1[%swap3A, %swap3A_6] : memref<8192x32xf32, #tpu.memory_space<vmem>>, vector<8192x32xf32>
    tpu.vector_store %arg1[%swap3A, %swap3A_6], %div3A_5 {strides = array<i32>} : memref<8192x32xf32, #tpu.memory_space<vmem>>, vector<8192x32xf32>,
    %broadcast_in_dim3A_8 = arith.constant 0.000000e+00 : f32
    %broadcast_in_dim3A_9 = vector.broadcast %broadcast_in_dim3A_8 : f32 to vector<8192x96xf32>
    %concatenate3A = tpu.concatenate %div3A_5, %broadcast_in_dim3A_9 in 1 : vector<8192x32xf32>, vector<8192x96xf32> -> vector<8192x128xf32>
    %swap3A_10 = arith.constant 0 : index
    %swap3A_11 = arith.constant 0 : index
    %swap3A_12 = vector.load %arg2[%swap3A_10, %swap3A_11] : memref<8192x128xf32, #tpu.memory_space<vmem>>, vector<8192x128xf32>
    tpu.vector_store %arg2[%swap3A_10, %swap3A_11], %concatenate3A {strides = array<i32>} : memref<8192x128xf32, #tpu.memory_space<vmem>>, vector<8192x128xf32>,
    return
  }
}

module attributes {stable_mosaic.version = 14 : i64} {
  func.func @_fin_body(%arg0: memref<32x8192xf32, #tpu.memory_space<vmem>>, %arg1: memref<8192x128xf32, #tpu.memory_space<vmem>>, %arg2: memref<8192x32xf32, #tpu.memory_space<vmem>>, %arg3: memref<1x1xf32, #tpu.memory_space<vmem>>, %arg4: memref<1x1xf32, #tpu.memory_space<vmem>>) attributes {dimension_semantics = [], scalar_prefetch = 0 : i64, scratch_operands = 0 : i64, tpu.core_type = #tpu.core_type<tc>} {
    %get3A = arith.constant 0 : index
    %get3A_0 = arith.constant 0 : index
    %get3A_1 = vector.load %arg0[%get3A, %get3A_0] : memref<32x8192xf32, #tpu.memory_space<vmem>>, vector<32x8192xf32>
    %reduce_sum3A = arith.constant dense<0.000000e+00> : vector<8192xf32>
    %reduce_sum3A_2 = vector.multi_reduction <add>, %get3A_1, %reduce_sum3A [0] : vector<32x8192xf32> to vector<8192xf32>
    %broadcast_in_dim3A = vector.shape_cast %reduce_sum3A_2 : vector<8192xf32> to vector<1x8192xf32>
    %div3A = arith.constant 8.192000e+03 : f32
    %div3A_3 = vector.broadcast %div3A : f32 to vector<1x8192xf32>
    %div3A_4 = arith.divf %broadcast_in_dim3A, %div3A_3 : vector<1x8192xf32>
    %add3A = arith.constant 1.000000e-10 : f32
    %add3A_5 = vector.broadcast %add3A : f32 to vector<1x8192xf32>
    %add3A_6 = arith.addf %div3A_4, %add3A_5 : vector<1x8192xf32>
    %log3A = math.log %add3A_6 : vector<1x8192xf32>
    %mul3A = arith.mulf %div3A_4, %log3A : vector<1x8192xf32>
    %reduce_sum3A_7 = vector.shape_cast %mul3A : vector<1x8192xf32> to vector<1x1x8192xf32>
    %reduce_sum3A_8 = arith.constant dense<0.000000e+00> : vector<1xf32>
    %reduce_sum3A_9 = vector.multi_reduction <add>, %reduce_sum3A_7, %reduce_sum3A_8 [1, 2] : vector<1x1x8192xf32> to vector<1xf32>
    %reduce_sum3A_10 = vector.shape_cast %reduce_sum3A_9 : vector<1xf32> to vector<1x1x1xf32>
    %reduce_sum3A_11 = vector.extract %reduce_sum3A_10[0, 0, 0] : f32 from vector<1x1x1xf32>
    %neg3A = arith.constant 0.000000e+00 : f32
    %neg3A_12 = arith.subf %neg3A, %reduce_sum3A_11 : f32
    %exp3A = math.exp %neg3A_12 : f32
    %reshape3A = vector.broadcast %exp3A : f32 to vector<1x1xf32>
    %swap3A = arith.constant 0 : index
    %swap3A_13 = arith.constant 0 : index
    %swap3A_14 = vector.load %arg3[%swap3A, %swap3A_13] : memref<1x1xf32, #tpu.memory_space<vmem>>, vector<1x1xf32>
    tpu.vector_store %arg3[%swap3A, %swap3A_13], %reshape3A {strides = array<i32>} : memref<1x1xf32, #tpu.memory_space<vmem>>, vector<1x1xf32>,
    %get3A_15 = arith.constant 0 : index
    %get3A_16 = arith.constant 0 : index
    %get3A_17 = vector.load %arg1[%get3A_15, %get3A_16] : memref<8192x128xf32, #tpu.memory_space<vmem>>, vector<8192x128xf32>
    %slice3A = vector.extract_strided_slice %get3A_17 {offsets = [0, 0], sizes = [8192, 32], strides = [1, 1]} : vector<8192x128xf32> to vector<8192x32xf32>
    %get3A_18 = arith.constant 0 : index
    %get3A_19 = arith.constant 0 : index
    %get3A_20 = vector.load %arg2[%get3A_18, %get3A_19] : memref<8192x32xf32, #tpu.memory_space<vmem>>, vector<8192x32xf32>
    %sub3A = arith.subf %slice3A, %get3A_20 : vector<8192x32xf32>
    %mul3A_21 = arith.mulf %sub3A, %sub3A : vector<8192x32xf32>
    %reduce_sum3A_22 = vector.shape_cast %mul3A_21 : vector<8192x32xf32> to vector<1x8192x32xf32>
    %reduce_sum3A_23 = arith.constant dense<0.000000e+00> : vector<1xf32>
    %reduce_sum3A_24 = vector.multi_reduction <add>, %reduce_sum3A_22, %reduce_sum3A_23 [1, 2] : vector<1x8192x32xf32> to vector<1xf32>
    %reduce_sum3A_25 = vector.shape_cast %reduce_sum3A_24 : vector<1xf32> to vector<1x1x1xf32>
    %reduce_sum3A_26 = vector.extract %reduce_sum3A_25[0, 0, 0] : f32 from vector<1x1x1xf32>
    %mul3A_27 = arith.constant 2.500000e-01 : f32
    %mul3A_28 = arith.mulf %mul3A_27, %reduce_sum3A_26 : f32
    %div3A_29 = arith.constant 2.621440e+05 : f32
    %div3A_30 = arith.divf %mul3A_28, %div3A_29 : f32
    %reshape3A_31 = vector.broadcast %div3A_30 : f32 to vector<1x1xf32>
    %swap3A_32 = arith.constant 0 : index
    %swap3A_33 = arith.constant 0 : index
    %swap3A_34 = vector.load %arg4[%swap3A_32, %swap3A_33] : memref<1x1xf32, #tpu.memory_space<vmem>>, vector<1x1xf32>
    tpu.vector_store %arg4[%swap3A_32, %swap3A_33], %reshape3A_31 {strides = array<i32>} : memref<1x1xf32, #tpu.memory_space<vmem>>, vector<1x1xf32>,
    return
  }
}

</mosaic_0001>

<sc_bundles>
// kernel: kernel.6.cloned.1.call-start
scs
__scs_entry_jumppad:
0x0: {  	(pc) =	sbr.rel $0x88, $3  }
0x1: {  	(tag) =	ssettag $0x0;
	lr =	simm.s32 $0x1  }
0x2: {  	[smem:$0x3F9F] =	sst lr;
	_ =	strace $0xD0000000  }
0x3: {  	_ = 	snop  }
0x4: {  	_ = 	snop  }
0x5: {  	_ = 	snop  }
0x6: {  	_ = 	snop  }
0x7: {  	_ = 	snop  }
__scs_overlays_trampoline_lowered:
0x8: {  	[smem:$0x3FAE] =	sst s0  }
0x9: {  	[smem:$0x3FAF] =	sst s1  }
0xa: {  	[smem:$0x3FB0] =	sst s2  }
0xb: {  	[smem:$0x3FB1] =	sst s3  }
0xc: {  	[smem:$0x3FB2] =	sst s4  }
0xd: {  	[smem:$0x3FB3] =	sst s5  }
0xe: {  	[smem:$0x3FB4] =	sst s6  }
0xf: {  	[smem:$0x3FB5] =	sst s7  }
0x10: {  	[smem:$0x3FB6] =	sst s8  }
0x11: {  	[smem:$0x3FB7] =	sst s9;
	s0 =	simm.s32 @!p0 $0x0  }
0x12: {  	s1 =	sld [smem:$0x3F9D];
	s0 =	simm.s32 @p0 $0x1  }
0x13: {  	[smem:$0x3FB8] =	sst s0;
	s0 =	simm.s32 @!p1 $0x0  }
0x14: {  	s2 =	sld [smem:$0x3F9C];
	s0 =	simm.s32 @p1 $0x1  }
0x15: {  	[smem:$0x3FB9] =	sst s0;
	s0 =	simm.s32 @!p2 $0x0  }
0x16: {  	s3 =	sld [smem:$0x3FDB];
	s0 =	simm.s32 @p2 $0x1  }
0x17: {  	s4 =	simm.s32 $0x1BF5;
	[smem:$0x3FBB] =	sst s0  }
0x18: {  	s0 =	sld [smem:$0x3F9E];
	_ =	swait.ge [sflag:s4], $0x0  }
0x19: {  	s7 =	sld [smem:$0x3F9F]  }
0x1a: {  	s8 =	sadd.s32 $0xFFFFE003, lr  }
0x1b: {  	s9 =	sadd.s32 $0xFFFFFEF7, lr;
	s5 =	simm.s32 $0xFFFFFFFF;
	p2 =	slt.u32 s8, $0xFFFFF086  }
0x1c: {  	p1 =	slt.u32 s9, $0xF7A;
	s5 =	simm.s32 @!p2 $0x0  }
0x1d: {  	s5 =	simm.s32 @p1 $0x1;
	p0 =	seq.s32 s7, s2  }
0x1e: {  	s7 =	smul.u32 @!p0 $0xF7A, s2;
	p2 =	seq.s32 @!p0 s5, $0x0  }
0x1f: {  	s9 =	smul.u32 $0xF7A, s1;
	s8 =	simm.s32 @!p0 $0x1BF5;
	p2 =	por !p2, p0  }
0x20: {  	[sflag:s8] =	ssyncset.s32 @!p0 $0xFFFFF086;
	s6 =	sadd.s32 @!p0 s3, s7;
	s7 =	simm.s32 @!p0 $0x108  }
0x21: {  	s3 =	sadd.s32 s3, s9;
	s6 =	sadd.s32 @!p0 $0x88, s6;
	s7 =	simm.s32 @p2 $0x1082  }
0x22: {  	[simem:s7], [sflag:s8] =	dma.local @!p0 [hbm:s6], $0xF7A  }
0x23: {  	s9 =	sor.u32 $0xD0000000, s2;
	s6 =	simm.s32 $0x108;
	_ =	swait.ge @!p0 [sflag:s8], $0x0  }
0x24: {  	s3 =	sadd.s32 $0x88, s3;
	s6 =	simm.s32 @!p1 $0x1082;
	[sflag:s4] =	ssyncset.s32 $0xFFFFF086  }
0x25: {  	[simem:s6], [sflag:s4] =	dma.local [hbm:s3], $0xF7A  }
0x26: {  	[smem:$0x3F9F] =	sst s1;
	(tag) =	ssettag s2;
	_ =	strace s9  }
0x27: {  	s1 =	sld [smem:$0x3FAF]  }
0x28: {  	s2 =	sld [smem:$0x3FB0]  }
0x29: {  	s4 =	sld [smem:$0x3FB2]  }
0x2a: {  	p0 =	seq.s32 s5, $0x0;
	s5 =	sld [smem:$0x3FB3]  }
0x2b: {  	s6 =	sld [smem:$0x3FB4]  }
0x2c: {  	s7 =	sld [smem:$0x3FB5]  }
0x2d: {  	s3 =	simm.s32 $0x108;
	s8 =	sld [smem:$0x3FB6]  }
0x2e: {  	s3 =	simm.s32 @!p0 $0x1082;
	s9 =	sld [smem:$0x3FB7]  }
0x2f: {  	lr =	sadd.s32 s0, s3;
	s0 =	sld [smem:$0x3FAE]  }
0x30: {  	s3 =	sld [smem:$0x3FB1]  }
0x31: {  	[smem:$0x3FBA] =	sst s10  }
0x32: {  	s10 =	sld [smem:$0x3FB8];
	_ =	sdelay $0x3  }
0x33: {  	p0 =	seq.s32 s10, $0x1;
	s10 =	sld [smem:$0x3FBA];
	_ =	sdelay $0x3  }
0x34: {  	[smem:$0x3FBA] =	sst s10  }
0x35: {  	s10 =	sld [smem:$0x3FB9];
	_ =	sdelay $0x3  }
0x36: {  	p1 =	seq.s32 s10, $0x1;
	s10 =	sld [smem:$0x3FBA];
	_ =	sdelay $0x3  }
0x37: {  	[smem:$0x3FBA] =	sst s10  }
0x38: {  	s10 =	sld [smem:$0x3FBB]  }
0x39: {  	_ = 	snop;
	(pc) =	sbr.ind lr, $3  }
0x3a: {  	_ = 	snop  }
0x3b: {  	_ = 	snop  }
0x3c: {  	p2 =	seq.s32 s10, $0x1;
	s10 =	sld [smem:$0x3FBA]  }
0x3d: {  	_ =	shalt  }
0x3e: {  	_ =	shalt  }
0x3f: {  	_ =	shalt  }
0x40: {  	_ =	shalt  }
0x41: {  	_ =	shalt  }
0x42: {  	_ =	shalt  }
0x43: {  	_ =	shalt  }
0x44: {  	_ =	shalt  }
0x45: {  	_ =	shalt  }
0x46: {  	_ =	shalt  }
0x47: {  	_ =	shalt  }
0x48: {  	_ =	shalt  }
0x49: {  	_ =	shalt  }
0x4a: {  	_ =	shalt  }
0x4b: {  	_ =	shalt  }
0x4c: {  	_ =	shalt  }
0x4d: {  	_ =	shalt  }
0x4e: {  	_ =	shalt  }
0x4f: {  	_ =	shalt  }
0x50: {  	_ =	shalt  }
0x51: {  	_ =	shalt  }
0x52: {  	_ =	shalt  }
0x53: {  	_ =	shalt  }
0x54: {  	_ =	shalt  }
0x55: {  	_ =	shalt  }
0x56: {  	_ =	shalt  }
0x57: {  	_ =	shalt  }
0x58: {  	_ =	shalt  }
0x59: {  	_ =	shalt  }
0x5a: {  	_ =	shalt  }
0x5b: {  	_ =	shalt  }
0x5c: {  	_ =	shalt  }
0x5d: {  	_ =	shalt  }
0x5e: {  	_ =	shalt  }
0x5f: {  	_ =	shalt  }
0x60: {  	_ =	shalt  }
0x61: {  	_ =	shalt  }
0x62: {  	_ =	shalt  }
0x63: {  	_ =	shalt  }
0x64: {  	_ =	shalt  }
0x65: {  	_ =	shalt  }
0x66: {  	_ =	shalt  }
0x67: {  	_ =	shalt  }
0x68: {  	_ =	shalt  }
0x69: {  	_ =	shalt  }
0x6a: {  	_ =	shalt  }
0x6b: {  	_ =	shalt  }
0x6c: {  	_ =	shalt  }
0x6d: {  	_ =	shalt  }
0x6e: {  	_ =	shalt  }
0x6f: {  	_ =	shalt  }
0x70: {  	_ =	shalt  }
0x71: {  	_ =	shalt  }
0x72: {  	_ =	shalt  }
0x73: {  	_ =	shalt  }
0x74: {  	_ =	shalt  }
0x75: {  	_ =	shalt  }
0x76: {  	_ =	shalt  }
0x77: {  	_ =	shalt  }
0x78: {  	_ =	shalt  }
0x79: {  	_ =	shalt  }
0x7a: {  	_ =	shalt  }
0x7b: {  	_ =	shalt  }
0x7c: {  	_ =	shalt  }
0x7d: {  	_ =	shalt  }
0x7e: {  	_ =	shalt  }
0x7f: {  	_ =	shalt  }
0x80: {  	_ =	shalt  }
0x81: {  	_ =	shalt  }
0x82: {  	_ =	shalt  }
0x83: {  	_ =	shalt  }
0x84: {  	_ =	shalt  }
0x85: {  	_ =	shalt  }
0x86: {  	_ =	shalt  }
0x87: {  	_ =	shalt  }
.Lfunc_end0:
.L_simem_size_0:
called_computation_lowered:
.L_overlay_start_0:
0x88: {  	s2 =	sld [smem:$0x3FD9]  }
0x89: {  	s3 =	sld [smem:$0x3FFE];
	_ =	sdelay $0x1  }
0x8a: {  	s1 =	srdreg.scid  }
0x8b: {  	s0 =	sand.u32 $0x1, s1  }
0x8c: {  	s14 =	sshll.u32 s0, $0xA;
	s2 =	sadd.s32 s3, s2  }
0x8d: {  	s2 =	sadd.s32 s2, s14  }
0x8e: {  	[smem:$0x3FC6] =	sst s2  }
0x8f: {  	_ = 	snop  }
0x90: {  	s2 =	sld [smem:$0x3FD0];
	_ =	sdelay $0x2  }
0x91: {  	s15 =	simm.s32 $0xA;
	s4 =	simm.s32 $0x10  }
0x92: {  	[smem:s4], [sflag:s15] =	dma.local [hbm:s2], $0x1  }
0x93: {  	_ =	swait.eq [sflag:s15], $0x1  }
0x94: {  	[sflag:s15] =	ssyncset.done $0x0  }
0x95: {  	[sflag:s15] =	ssyncadd.s32 $0xFFFFFFFF  }
0x96: {  	s16 =	sld [smem:$0x14];
	(tm) =	ssettm $0x1  }
0x97: {  	s17 =	sld [smem:$0x3FFB];
	_ =	sdelay $0x3  }
0x98: {  	_ =	strace s17  }
0x99: {  	s3 =	sld [smem:$0x3FFC];
	_ =	sdelay $0x3  }
0x9a: {  	_ =	strace s3  }
0x9b: {  	s3 =	sld [smem:$0x3FFD];
	_ =	sdelay $0x3  }
0x9c: {  	_ =	strace s3  }
0x9d: {  	_ =	strace $0x8FFFFFFF  }
0x9e: {  	s18 =	sld [smem:$0x3FDB];
	_ =	sdelay $0x1  }
0x9f: {  	s19 =	simm.s32 $_scs_section_size  }
0xa0: {  	s5 =	simm.s32 $_size__tile_overlayer_lowered;
	s6 =	simm.s32 $_tile_overlayer_lowered  }
0xa1: {  	s22 =	simm.s32 $0x1BFF;
	s21 =	sshll.u32 s6, $0x1;
	s3 =	sadd.s32 s19, s18  }
0xa2: {  	s7 =	simm.s32 $0x0;
	s20 =	sshll.u32 s5, $0x1;
	s5 =	sadd.s32 s21, s3  }
0xa3: {  	[timem:s7], [sflag:s22] =	dma.local [hbm:s5], s20  }
0xa4: {  	_ =	swait.ge [sflag:s22], s20  }
0xa5: {  	s4 =	ssub.s32 $0x0, s20;
	[sflag:s22] =	ssyncset.done $0x0  }
0xa6: {  	[sflag:s22] =	ssyncadd.s32 s4;
	_ =	sdelay $0x1  }
0xa7: {  	s23 =	simm.s32 $0x1B8B  }
0xa8: {  	_ =	swait.ge [sflag:s23], $0x1  }
0xa9: {  	[sflag:s23] =	ssyncset.done $0x0  }
0xaa: {  	s25 =	simm.s32 $0x1B8E;
	s24 =	sld [smem:$0x3FFE];
	[sflag:s23] =	ssyncadd.s32 $0xFFFFFFFF  }
0xab: {  	s26 =	simm.s32 $execute0_lowered;
	[smem:$0x3FD2] =	sst s25  }
0xac: {  	s5 =	sshll.u32 s26, $0x1;
	_ =	strace $0x80000046;
	[dreg:$0x1] =	wrdreg $0xFFFFFFFF  }
0xad: {  	s28 =	simm.s32 $_size_execute0_lowered;
	s3 =	sadd.s32 s3, s5;
	[dreg:$0x0] =	wrdreg $0x0  }
0xae: {  	s5 =	sshll.u32 s28, $0x1;
	[dreg:$0x2] =	wrdreg s3  }
0xaf: {  	[dreg:$0x3] =	wrdreg s5  }
0xb0: {  	[dreg:$0x4] =	wrdreg $0xC0  }
0xb1: {  	_ =	task [dreg:s7], $0x5FFFF  }
0xb2: {  	[dreg:$0x1] =	wrdreg $0xFFFFFFFF  }
0xb3: {  	[dreg:$0x0] =	wrdreg $0x60  }
0xb4: {  	[dreg:$0x2] =	wrdreg s24  }
0xb5: {  	[dreg:$0x3] =	wrdreg s16  }
0xb6: {  	[dreg:$0x4] =	wrdreg $0x9  }
0xb7: {  	_ =	task.clear_ibuf [dreg:s7], $0x5FFFF;
	_ =	strace $0x90000046  }
0xb8: {  	s29 =	simm.s32 $0x9;
	_ =	strace $0x80000048  }
0xb9: {  	_ =	swait.ge [sflag:s29], $0x1  }
0xba: {  	[sflag:s29] =	ssyncadd.s32 $0xFFFFFFFF  }
0xbb: {  	_ =	strace $0x90000048  }
0xbc: {  	_ =	sfence  }
0xbd: {  	s30 =	sld [smem:$0x0];
	_ =	sdelay $0x2  }
0xbe: {  	s31 =	sshll.u32 s1, $0xD;
	s1 =	sshrl.u32 s1, $0x2  }
0xbf: {  	s3 =	sand.u32 $0x4000, s31;
	s1 =	sadd.s32 s1, s30  }
0xc0: {  	s0 =	sor.u32 s3, s0;
	s1 =	sshll.u32 s1, $0x11  }
0xc1: {  	s0 =	sor.u32 s1, s0  }
0xc2: {  	s0 =	sadd.s32 $0x8F2B, s0  }
0xc3: {  	[sflag:s0] =	ssyncadd.remote.s32 $0x1  }
0xc4: {  	_ =	sfence.sel $0xFFFF  }
0xc5: {  	[dreg:$0x0] =	wrdreg $0xFFFFFFFF;
	(pc) =	sbr.abs _section_cstart, $3  }
0xc6: {  	[dreg:$0x1] =	wrdreg $0xFFFFFFFF  }
0xc7: {  	_ =	task.clear_ibuf [dreg:s7], $0x2FFFF;
	_ =	strace $0x9FFFFFFF  }
0xc8: {  	(tm) =	ssettm $0x7FFFFFFF  }
0xc9: {  	_ =	shalt  }
tec
execute0_lowered:
.L_overlay_start_1:
0x0: {  	(tag) =	ssettag $0x1  }
0x1: {  	s4 =	rddreg [dreg:$0x0]  }
0x2: {  	s5 =	rddreg [dreg:$0x1]  }
0x3: {  	s0 =	rddreg [dreg:$0x2];
	s2 =	simm.s32 $0x0;
	s3 =	srdreg.scid  }
0x4: {  	s1 =	stileid.u32;
	s12 =	simm.s32 $0x80;
	s13 =	simm.s32 $0x400  }
0x5: {  	s14 =	simm.s32 $0x0;
	[smem:$0x7FF] =	sst s2;
	s6 =	sand.u32 $0x1, s3  }
0x6: {  	s28 =	sshll.u32 s1, $0x1;
	s3 =	sadd.s32 $0x1600, s4;
	s9 =	sshll.u32 s1, $0xB  }
0x7: {  	_ =	strace $0x80000047;
	s7 =	sor.u32 s6, s28;
	s9 =	sand.u32 $0x6000, s9  }
0x8: {  	s6 =	ssub.s32 $0x2, s6;
	s8 =	sshll.u32 s7, $0xC;
	s9 =	sadd.s32 s9, s4  }
0x9: {  	s29 =	sshrl.u32 s6, $0x1;
	s10 =	sshll.u32 s7, $0x4;
	s30 =	sshll.u32 s7, $0x5  }
0xa: {  	s8 =	sadd.s32 s8, s4;
	s11 =	ssub.s32 s6, s29;
	s31 =	sand.u32 $0x70, s10  }
0xb: {  	s4 =	sadd.s32 s5, s30;
	s10 =	simm.s32 $0x1;
	s5 =	sadd.s32 $0x21600, s8  }
0xc: {  	s6 =	sadd.s32 s31, s9;
	s7 =	smax.u32 s11, $0x1;
	s8 =	simm.s32 $0x2  }
0xd: {  	v0 =	vimm.f32 $0.0e+00;
	v1 =	vimm.f32 $1.000000000e+00;
	s9 =	simm.s32 $0x100;
	s11 =	simm.s32 $0x8100;
	s6 =	sadd.s32 $0x41600, s6  }
.LBB2_1:
0xe: {  	[tilespmem:s2], [sflag:$0x2] =	stream.linear.gather [hbm4b:s4+s2], $0x100, $0x38;
	[tilespmem:$0xA100] =	vst v63  }
0xf: {  	_ =	swait.ge [sflag:s8], $0x100  }
0x10: {  	[sflag:s8] =	ssyncset.done $0x0  }
0x11: {  	[sflag:s8] =	ssyncadd.s32 $0xFFFFFF00  }
0x12: {  	[tilespmem:s9], [sflag:$0x1] =	stream.indirect.gather [hbm4b:s3+s9], $0x80, s2, s9, $0xb8;
	[tilespmem:$0xA100] =	vst v63  }
0x13: {  	_ =	swait.ge [sflag:s10], $0x8000  }
0x14: {  	[sflag:s10] =	ssyncset.done $0x0  }
0x15: {  	[sflag:s10] =	ssyncadd.s32 $0xFFFF8000  }
0x16: {  	[hbm4b:s5+s2] =	stream.linear.scatter [tilespmem:s9], [sflag:$0x2], $0x8000, $0x38;
	[tilespmem:$0xA100] =	vst v63  }
0x17: {  	_ =	swait.ge [sflag:s8], $0x8000  }
0x18: {  	[sflag:s8] =	ssyncset.done $0x0  }
0x19: {  	s15 =	simm.s32 $0x40;
	s16 =	simm.s32 $0x0;
	[sflag:s8] =	ssyncadd.s32 $0xFFFF8000  }
.LBB2_2:
0x1a: {  	p0 =	sne.s32 s15, $0x7FC0;
	[tilespmem:s16+$0x8100] =	vst v0;
	s16 =	smov.u32 s15;
	s15 =	sadd.s32 $0x40, s15  }
.Ltmp0:
0x1b: {  	(pc) =	sbr.rel @p0 .LBB2_2-.Ltmp0, $2  }
0x1c: {  	_ =	sdelay $0x2  }
0x1d: {  	s16 =	sshra.s32 s16, $0x2  }
0x1e: {  	[tilespmem:s16+$0x8100] =	vst v0  }
0x1f: {  	v2 =	vld [tilespmem:$0x0];
	_ =	sdelay $0x7  }
0x20: {  	[tilespmem:v2+s11+$0x0] =	vst.idx.add.f32.msk $0xffff, v1  }
0x21: {  	v2 =	vld [tilespmem:$0x10];
	_ =	sdelay $0x7  }
0x22: {  	[tilespmem:v2+s11+$0x0] =	vst.idx.add.f32.msk $0xffff, v1  }
0x23: {  	v2 =	vld [tilespmem:$0x20];
	_ =	sdelay $0x7  }
0x24: {  	[tilespmem:v2+s11+$0x0] =	vst.idx.add.f32.msk $0xffff, v1  }
0x25: {  	v2 =	vld [tilespmem:$0x30];
	_ =	sdelay $0x7  }
0x26: {  	[tilespmem:v2+s11+$0x0] =	vst.idx.add.f32.msk $0xffff, v1  }
0x27: {  	v2 =	vld [tilespmem:$0x40];
	_ =	sdelay $0x7  }
0x28: {  	[tilespmem:v2+s11+$0x0] =	vst.idx.add.f32.msk $0xffff, v1  }
0x29: {  	v2 =	vld [tilespmem:$0x50];
	_ =	sdelay $0x7  }
0x2a: {  	[tilespmem:v2+s11+$0x0] =	vst.idx.add.f32.msk $0xffff, v1  }
0x2b: {  	v2 =	vld [tilespmem:$0x60];
	_ =	sdelay $0x7  }
0x2c: {  	[tilespmem:v2+s11+$0x0] =	vst.idx.add.f32.msk $0xffff, v1  }
0x2d: {  	v2 =	vld [tilespmem:$0x70];
	_ =	sdelay $0x7  }
0x2e: {  	[tilespmem:v2+s11+$0x0] =	vst.idx.add.f32.msk $0xffff, v1  }
0x2f: {  	v2 =	vld [tilespmem:$0x80];
	_ =	sdelay $0x7  }
0x30: {  	[tilespmem:v2+s11+$0x0] =	vst.idx.add.f32.msk $0xffff, v1  }
0x31: {  	v2 =	vld [tilespmem:$0x90];
	_ =	sdelay $0x7  }
0x32: {  	[tilespmem:v2+s11+$0x0] =	vst.idx.add.f32.msk $0xffff, v1  }
0x33: {  	v2 =	vld [tilespmem:$0xA0];
	_ =	sdelay $0x7  }
0x34: {  	[tilespmem:v2+s11+$0x0] =	vst.idx.add.f32.msk $0xffff, v1  }
0x35: {  	v2 =	vld [tilespmem:$0xB0];
	_ =	sdelay $0x7  }
0x36: {  	[tilespmem:v2+s11+$0x0] =	vst.idx.add.f32.msk $0xffff, v1  }
0x37: {  	v2 =	vld [tilespmem:$0xC0];
	_ =	sdelay $0x7  }
0x38: {  	[tilespmem:v2+s11+$0x0] =	vst.idx.add.f32.msk $0xffff, v1  }
0x39: {  	v2 =	vld [tilespmem:$0xD0];
	_ =	sdelay $0x7  }
0x3a: {  	[tilespmem:v2+s11+$0x0] =	vst.idx.add.f32.msk $0xffff, v1  }
0x3b: {  	v2 =	vld [tilespmem:$0xE0];
	_ =	sdelay $0x7  }
0x3c: {  	[tilespmem:v2+s11+$0x0] =	vst.idx.add.f32.msk $0xffff, v1  }
0x3d: {  	v2 =	vld [tilespmem:$0xF0];
	_ =	sdelay $0x5  }
0x3e: {  	s14 =	sadd.s32 $0x1, s14  }
0x3f: {  	p0 =	sne.s32 s14, s7  }
.Ltmp1:
0x40: {  	[tilespmem:v2+s11+$0x0] =	vst.idx.add.f32.msk $0xffff, v1;
	(pc) =	sbr.rel @p0 .LBB2_1-.Ltmp1, $4  }
0x41: {  	[hbm4b:s6+s12] =	stream.strided.scatter [tilespmem:s11], [sflag:$0x2], $0x2000, s13, s12, $0x38;
	[tilespmem:$0xA100] =	vst v63  }
0x42: {  	_ =	swait.ge [sflag:s8], $0x2000  }
0x43: {  	[sflag:s8] =	ssyncset.done $0x0  }
0x44: {  	[sflag:s8] =	ssyncadd.s32 $0xFFFFE000  }
0x45: {  	_ =	sfence.sel $0x180000  }
0x46: {  	[bflag:$0x0] =	sbarrier.arrive $0xFFFF  }
0x47: {  	p0 =	sne.s32 s1, $0x0;
	_ =	strace $0x90000047  }
0x48: {  	s0 =	sadd.s32 @!p0 $0x100000, s0;
	[bflag:$0x2] =	sbarrier.arrive $0xFFFF  }
0x49: {  	[sflag:s0] =	ssyncadd.tile.s32 @!p0 $0x1;
	_ =	shalt  }
.Lfunc_end2:
_tile_overlayer_lowered:
.L_overlay_start_2:
0x4a: {  	(tag) =	ssettag $0x2  }
0x4b: {  	s0 =	rddreg [dreg:$0x0];
	s2 =	stileid.u32  }
0x4c: {  	s1 =	rddreg [dreg:$0x1];
	p0 =	sne.s32 s2, $0x0  }
0x4d: {  	s3 =	rddreg [dreg:$0x2];
	[bflag:$0x3] =	sbarrier.arrive $0xFFFF;
	s2 =	simm.s32 @!p0 $0x1C02  }
0x4e: {  	[timem:s3], [sflag:s2] =	dma.local @!p0 [hbm:s0], s1  }
0x4f: {  	s0 =	simm.s32 @!p0 $0x2  }
0x50: {  	_ =	swait.ge @!p0 [sflag:s0], s1  }
0x51: {  	s1 =	ssub.s32 @!p0 $0x0, s1;
	[sflag:s0] =	ssyncset.done @!p0 $0x0  }
0x52: {  	[sflag:s0] =	ssyncadd.s32 @!p0 s1  }
0x53: {  	[bflag:$0x3] =	sbarrier.arrive $0xFFFF  }
0x54: {  	_ =	shalt  }

</sc_bundles>
